<compile_context>
chip_gen: v7x
topology: tpu7x:2x2x1
jax: 0.10.2.dev20260603
libtpu: 0.0.44.dev20260713+nightly
codegen_flags: <defaults>
</compile_context>

<pallas_src>
import functools

import jax
import jax.numpy as jnp
from jax import lax
from jax.experimental import pallas as pl
from jax.experimental.pallas import tpu as pltpu
from jax.experimental.pallas import tpu_sc as plsc

_EMBED = 128
_NC, _NS = 2, 16
_NW = _NC * _NS
_G = 128
_NB = 5
_D = 3


def _sc_gather(idx_t, table):
    hist, batch = idx_t.shape
    nb = batch * hist
    assert batch % (_NW * _G) == 0 and hist % _NB == 0
    mesh = plsc.VectorSubcoreMesh(
        core_axis_name="c", subcore_axis_name="s",
        num_cores=_NC, num_subcores=_NS)

    @functools.partial(
        pl.kernel,
        out_type=jax.ShapeDtypeStruct((hist, batch, _EMBED), jnp.float32),
        mesh=mesh,
        compiler_params=pltpu.CompilerParams(use_tc_tiling_on_sc=True),
        scratch_types=[
            pltpu.VMEM((hist, _G), jnp.int32),
            [pltpu.VMEM((_G, _EMBED), jnp.float32) for _ in range(_NB)],
            [pltpu.SemaphoreType.DMA for _ in range(_NB)],
            [pltpu.SemaphoreType.DMA for _ in range(_NB)],
        ],
    )
    def k(idx_hbm, table_hbm, out3_hbm, idx_v, bufs, gsems, ssems):
        wid = lax.axis_index("s") * _NC + lax.axis_index("c")
        nbase = wid * _G
        out_hbm = out3_hbm.reshape(nb, _EMBED)
        pltpu.sync_copy(idx_hbm.at[:, pl.ds(nbase, _G)], idx_v)

        for i in range(_D):
            pltpu.async_copy(table_hbm.at[idx_v.at[i]], bufs[i], gsems[i])

        @pl.loop(0, hist, step=_NB)
        def _outer(t0):
            for i in range(_NB):
                h = t0 + i
                pltpu.make_async_copy(
                    table_hbm.at[idx_v.at[0]], bufs[i], gsems[i]).wait()
                pltpu.async_copy(
                    bufs[i], out_hbm.at[pl.ds(h * batch + nbase, _G)],
                    ssems[i])
                hn = h + _D
                bn = (i + _D) % _NB

                @pl.when(hn < hist)
                def _():
                    @pl.when(hn >= _NB)
                    def _():
                        pltpu.make_async_copy(
                            bufs[bn], out_hbm.at[pl.ds(nbase, _G)],
                            ssems[bn]).wait()

                    pltpu.async_copy(
                        table_hbm.at[idx_v.at[hn]], bufs[bn], gsems[bn])

        for i in range(_NB):
            pltpu.make_async_copy(
                bufs[i], out_hbm.at[pl.ds(nbase, _G)], ssems[i]).wait()

    return k(idx_t, table)


def kernel(inputs, embedding_variable):
    idx_t = inputs.T.astype(jnp.int32)
    out_t = _sc_gather(idx_t, embedding_variable)
    return out_t.transpose(1, 0, 2)

# --- scband reference (transcript-rebuilt; emitter-appended) ---
"""Pipeline reference for scband-embedding-19387482375231 (READ-ONLY COPY).

The authoritative reference and input builder live on the scoring server;
editing this copy changes nothing except your own understanding.
"""

import jax, jax.numpy as jnp
import numpy as np

VOCAB = 100000
EMBED_DIM = 128
BATCH = 4096
HIST = 50

def setup_inputs(seed: int = 0) -> dict:
    key = jax.random.key(seed)
    k1, k2 = jax.random.split(key)
    inputs = jax.random.randint(k1, (BATCH, HIST), 0, VOCAB, dtype=jnp.int64 if jax.config.jax_enable_x64 else jnp.int32)
    embedding_variable = jax.random.uniform(k2, (VOCAB, EMBED_DIM), dtype=jnp.float32)
    return {"inputs": inputs, "embedding_variable": embedding_variable}

def reference(inputs, embedding_variable):
    # tf.nn.embedding_lookup(embedding_variable, inputs)
    return jnp.take(embedding_variable, inputs, axis=0)

if __name__ == "__main__":
    import jax
    _d = setup_inputs()
    print(jax.jit(kernel)(*tuple(_d.values())))

</pallas_src>

<mosaic_0001>
#map = affine_map<(d0, d1) -> (0, 0)>
#map1 = affine_map<(d0, d1) -> (0, 0, 0)>
module attributes {stable_mosaic.version = 14 : i64} {
  func.func @k(%arg0: i32, %arg1: i32, %arg2: memref<50x4096xi32, #tpu.memory_space<hbm>>, %arg3: memref<100000x128xf32, #tpu.memory_space<hbm>>, %arg4: memref<50x4096x128xf32, #tpu.memory_space<hbm>>, %arg5: memref<50x128xi32, #tpu.memory_space<vmem>>, %arg6: memref<128x128xf32, #tpu.memory_space<vmem>>, %arg7: memref<128x128xf32, #tpu.memory_space<vmem>>, %arg8: memref<128x128xf32, #tpu.memory_space<vmem>>, %arg9: memref<128x128xf32, #tpu.memory_space<vmem>>, %arg10: memref<128x128xf32, #tpu.memory_space<vmem>>, %arg11: memref<!tpu.dma_semaphore, #tpu.memory_space<semaphore_mem>>, %arg12: memref<!tpu.dma_semaphore, #tpu.memory_space<semaphore_mem>>, %arg13: memref<!tpu.dma_semaphore, #tpu.memory_space<semaphore_mem>>, %arg14: memref<!tpu.dma_semaphore, #tpu.memory_space<semaphore_mem>>, %arg15: memref<!tpu.dma_semaphore, #tpu.memory_space<semaphore_mem>>, %arg16: memref<!tpu.dma_semaphore, #tpu.memory_space<semaphore_mem>>, %arg17: memref<!tpu.dma_semaphore, #tpu.memory_space<semaphore_mem>>, %arg18: memref<!tpu.dma_semaphore, #tpu.memory_space<semaphore_mem>>, %arg19: memref<!tpu.dma_semaphore, #tpu.memory_space<semaphore_mem>>, %arg20: memref<!tpu.dma_semaphore, #tpu.memory_space<semaphore_mem>>) attributes {dimension_semantics = [#tpu.dimension_semantics<core_parallel>, #tpu.dimension_semantics<subcore_parallel>], iteration_bounds = array<i64: 2, 16>, scalar_prefetch = 0 : i64, scratch_operands = 16 : i64, tpu.core_type = #tpu.core_type<sc_vector_subcore>, window_params = [{transform_indices = #map}, {transform_indices = #map}, {transform_indices = #map1}]} {
    %mul3A = arith.constant 2 : i32
    %mul3A_0 = arith.muli %arg1, %mul3A : i32
    %add3A = arith.addi %mul3A_0, %arg0 : i32
    %mul3A_1 = arith.constant 128 : i32
    %mul3A_2 = arith.muli %add3A, %mul3A_1 : i32
    "tpu.region"() ({
      %run_scoped3A = tpu.sem_alloc : memref<!tpu.dma_semaphore, #tpu.memory_space<semaphore_mem>>
      %dma_start3A_56 = arith.constant 0 : i32
      %dma_start3A_57 = tpu.memref_slice %arg2[%dma_start3A_56, %mul3A_2] : memref<50x4096xi32, #tpu.memory_space<hbm>> -> memref<50x128xi32, #tpu.memory_space<hbm>>
      %dma_start3A_58 = arith.constant 0 : i32
      %dma_start3A_59 = tpu.memref_slice %arg2[%dma_start3A_58, %mul3A_2] : memref<50x4096xi32, #tpu.memory_space<hbm>> -> memref<50x128xi32, #tpu.memory_space<hbm>>
      tpu.enqueue_dma source(%dma_start3A_59 : memref<50x128xi32, #tpu.memory_space<hbm>>) target(%arg5 : memref<50x128xi32, #tpu.memory_space<vmem>>) target_semaphore(%run_scoped3A : memref<!tpu.dma_semaphore, #tpu.memory_space<semaphore_mem>>)
      %dma_wait3A_60 = arith.constant 0 : i32
      %dma_wait3A_61 = tpu.memref_slice %arg2[%dma_wait3A_60, %mul3A_2] : memref<50x4096xi32, #tpu.memory_space<hbm>> -> memref<50x128xi32, #tpu.memory_space<hbm>>
      %dma_wait3A_62 = arith.constant 0 : i32
      %dma_wait3A_63 = tpu.memref_slice %arg2[%dma_wait3A_62, %mul3A_2] : memref<50x4096xi32, #tpu.memory_space<hbm>> -> memref<50x128xi32, #tpu.memory_space<hbm>>
      tpu.wait_dma2 semaphore(%run_scoped3A : memref<!tpu.dma_semaphore, #tpu.memory_space<semaphore_mem>>) src(%dma_wait3A_63 : memref<50x128xi32, #tpu.memory_space<hbm>>) dst(%arg5 : memref<50x128xi32, #tpu.memory_space<vmem>>)
      tpu.yield
    }) : () -> ()
    %dma_start3A = arith.constant 0 : i32
    %dma_start3A_3 = arith.constant 0 : i32
    %dma_start3A_4 = tpu.memref_slice %arg5[%dma_start3A, %dma_start3A_3] : memref<50x128xi32, #tpu.memory_space<vmem>> -> memref<1x128xi32, #tpu.memory_space<vmem>>
    %dma_start3A_5 = tpu.memref_squeeze %dma_start3A_4 : memref<1x128xi32, #tpu.memory_space<vmem>> -> memref<128xi32, #tpu.memory_space<vmem>>
    %dma_start3A_6 = arith.constant 0 : i32
    %dma_start3A_7 = arith.constant 0 : i32
    %dma_start3A_8 = tpu.memref_slice %arg3[%dma_start3A_6, %dma_start3A_7] : memref<100000x128xf32, #tpu.memory_space<hbm>> -> memref<100000x128xf32, #tpu.memory_space<hbm>>
    tpu.enqueue_indirect_dma source(%dma_start3A_8 : memref<100000x128xf32, #tpu.memory_space<hbm>>) target(%arg6 : memref<128x128xf32, #tpu.memory_space<vmem>>) offsets(%dma_start3A_5 : memref<128xi32, #tpu.memory_space<vmem>>) semaphore(%arg11 : memref<!tpu.dma_semaphore, #tpu.memory_space<semaphore_mem>>)
    %dma_start3A_9 = arith.constant 1 : i32
    %dma_start3A_10 = arith.constant 0 : i32
    %dma_start3A_11 = tpu.memref_slice %arg5[%dma_start3A_9, %dma_start3A_10] : memref<50x128xi32, #tpu.memory_space<vmem>> -> memref<1x128xi32, #tpu.memory_space<vmem>>
    %dma_start3A_12 = tpu.memref_squeeze %dma_start3A_11 : memref<1x128xi32, #tpu.memory_space<vmem>> -> memref<128xi32, #tpu.memory_space<vmem>>
    %dma_start3A_13 = arith.constant 0 : i32
    %dma_start3A_14 = arith.constant 0 : i32
    %dma_start3A_15 = tpu.memref_slice %arg3[%dma_start3A_13, %dma_start3A_14] : memref<100000x128xf32, #tpu.memory_space<hbm>> -> memref<100000x128xf32, #tpu.memory_space<hbm>>
    tpu.enqueue_indirect_dma source(%dma_start3A_15 : memref<100000x128xf32, #tpu.memory_space<hbm>>) target(%arg7 : memref<128x128xf32, #tpu.memory_space<vmem>>) offsets(%dma_start3A_12 : memref<128xi32, #tpu.memory_space<vmem>>) semaphore(%arg12 : memref<!tpu.dma_semaphore, #tpu.memory_space<semaphore_mem>>)
    %dma_start3A_16 = arith.constant 2 : i32
    %dma_start3A_17 = arith.constant 0 : i32
    %dma_start3A_18 = tpu.memref_slice %arg5[%dma_start3A_16, %dma_start3A_17] : memref<50x128xi32, #tpu.memory_space<vmem>> -> memref<1x128xi32, #tpu.memory_space<vmem>>
    %dma_start3A_19 = tpu.memref_squeeze %dma_start3A_18 : memref<1x128xi32, #tpu.memory_space<vmem>> -> memref<128xi32, #tpu.memory_space<vmem>>
    %dma_start3A_20 = arith.constant 0 : i32
    %dma_start3A_21 = arith.constant 0 : i32
    %dma_start3A_22 = tpu.memref_slice %arg3[%dma_start3A_20, %dma_start3A_21] : memref<100000x128xf32, #tpu.memory_space<hbm>> -> memref<100000x128xf32, #tpu.memory_space<hbm>>
    tpu.enqueue_indirect_dma source(%dma_start3A_22 : memref<100000x128xf32, #tpu.memory_space<hbm>>) target(%arg8 : memref<128x128xf32, #tpu.memory_space<vmem>>) offsets(%dma_start3A_19 : memref<128xi32, #tpu.memory_space<vmem>>) semaphore(%arg13 : memref<!tpu.dma_semaphore, #tpu.memory_space<semaphore_mem>>)
    %scan3A = arith.constant 0 : i32
    %scan3A_23 = arith.constant 10 : i32
    %scan3A_24 = arith.addi %scan3A, %scan3A_23 : i32
    %scan3A_25 = arith.constant 1 : i32
    scf.for %scan3A_56 = %scan3A to %scan3A_24 step %scan3A_25  : i32 {
      %mul3A_57 = arith.constant 5 : i32
      %mul3A_58 = arith.muli %scan3A_56, %mul3A_57 : i32
      %add3A_59 = arith.constant 0 : i32
      %add3A_60 = arith.addi %add3A_59, %mul3A_58 : i32
      %add3A_61 = arith.constant 0 : i32
      %add3A_62 = arith.addi %add3A_60, %add3A_61 : i32
      %dma_wait3A_63 = arith.constant 0 : i32
      %dma_wait3A_64 = arith.constant 0 : i32
      %dma_wait3A_65 = tpu.memref_slice %arg5[%dma_wait3A_63, %dma_wait3A_64] : memref<50x128xi32, #tpu.memory_space<vmem>> -> memref<1x128xi32, #tpu.memory_space<vmem>>
      %dma_wait3A_66 = tpu.memref_squeeze %dma_wait3A_65 : memref<1x128xi32, #tpu.memory_space<vmem>> -> memref<128xi32, #tpu.memory_space<vmem>>
      %dma_wait3A_67 = arith.constant 0 : i32
      %dma_wait3A_68 = arith.constant 0 : i32
      %dma_wait3A_69 = tpu.memref_slice %arg3[%dma_wait3A_67, %dma_wait3A_68] : memref<100000x128xf32, #tpu.memory_space<hbm>> -> memref<100000x128xf32, #tpu.memory_space<hbm>>
      tpu.wait_indirect_dma semaphore(%arg11 : memref<!tpu.dma_semaphore, #tpu.memory_space<semaphore_mem>>) src(%dma_wait3A_69 : memref<100000x128xf32, #tpu.memory_space<hbm>>) dst(%arg6 : memref<128x128xf32, #tpu.memory_space<vmem>>)
      %mul3A_70 = arith.constant 4096 : i32
      %mul3A_71 = arith.muli %add3A_62, %mul3A_70 : i32
      %add3A_72 = arith.addi %mul3A_71, %mul3A_2 : i32
      %dma_start3A_73 = tpu.memref_reshape %arg4 : memref<50x4096x128xf32, #tpu.memory_space<hbm>> -> memref<204800x128xf32, #tpu.memory_space<hbm>>
      %dma_start3A_74 = arith.constant 0 : i32
      %dma_start3A_75 = tpu.memref_slice %dma_start3A_73[%add3A_72, %dma_start3A_74] : memref<204800x128xf32, #tpu.memory_space<hbm>> -> memref<128x128xf32, #tpu.memory_space<hbm>>
      %dma_start3A_76 = tpu.memref_reshape %arg4 : memref<50x4096x128xf32, #tpu.memory_space<hbm>> -> memref<204800x128xf32, #tpu.memory_space<hbm>>
      %dma_start3A_77 = arith.constant 0 : i32
      %dma_start3A_78 = tpu.memref_slice %dma_start3A_76[%add3A_72, %dma_start3A_77] : memref<204800x128xf32, #tpu.memory_space<hbm>> -> memref<128x128xf32, #tpu.memory_space<hbm>>
      tpu.enqueue_dma source(%arg6 : memref<128x128xf32, #tpu.memory_space<vmem>>) target(%dma_start3A_78 : memref<128x128xf32, #tpu.memory_space<hbm>>) target_semaphore(%arg16 : memref<!tpu.dma_semaphore, #tpu.memory_space<semaphore_mem>>)
      %add3A_79 = arith.constant 3 : i32
      %add3A_80 = arith.addi %add3A_62, %add3A_79 : i32
      %lt3A = arith.constant 50 : i32
      %lt3A_81 = arith.cmpi slt, %add3A_80, %lt3A : i32
      %convert_element_type3A = arith.extui %lt3A_81 : i1 to i32
      %cond3A = arith.constant 0 : i32
      %cond3A_82 = arith.cmpi ne, %convert_element_type3A, %cond3A : i32
      scf.if %cond3A_82 {
        %ge3A = arith.constant 5 : i32
        %ge3A_183 = arith.cmpi sge, %add3A_80, %ge3A : i32
        %convert_element_type3A_184 = arith.extui %ge3A_183 : i1 to i32
        %cond3A_185 = arith.constant 0 : i32
        %cond3A_186 = arith.cmpi ne, %convert_element_type3A_184, %cond3A_185 : i32
        scf.if %cond3A_186 {
          %dma_wait3A_193 = tpu.memref_reshape %arg4 : memref<50x4096x128xf32, #tpu.memory_space<hbm>> -> memref<204800x128xf32, #tpu.memory_space<hbm>>
          %dma_wait3A_194 = arith.constant 0 : i32
          %dma_wait3A_195 = tpu.memref_slice %dma_wait3A_193[%mul3A_2, %dma_wait3A_194] : memref<204800x128xf32, #tpu.memory_space<hbm>> -> memref<128x128xf32, #tpu.memory_space<hbm>>
          %dma_wait3A_196 = tpu.memref_reshape %arg4 : memref<50x4096x128xf32, #tpu.memory_space<hbm>> -> memref<204800x128xf32, #tpu.memory_space<hbm>>
          %dma_wait3A_197 = arith.constant 0 : i32
          %dma_wait3A_198 = tpu.memref_slice %dma_wait3A_196[%mul3A_2, %dma_wait3A_197] : memref<204800x128xf32, #tpu.memory_space<hbm>> -> memref<128x128xf32, #tpu.memory_space<hbm>>
          tpu.wait_dma2 semaphore(%arg19 : memref<!tpu.dma_semaphore, #tpu.memory_space<semaphore_mem>>) src(%arg9 : memref<128x128xf32, #tpu.memory_space<vmem>>) dst(%dma_wait3A_198 : memref<128x128xf32, #tpu.memory_space<hbm>>)
        } else {
        }
        %dma_start3A_187 = arith.constant 0 : i32
        %dma_start3A_188 = tpu.memref_slice %arg5[%add3A_80, %dma_start3A_187] : memref<50x128xi32, #tpu.memory_space<vmem>> -> memref<1x128xi32, #tpu.memory_space<vmem>>
        %dma_start3A_189 = tpu.memref_squeeze %dma_start3A_188 : memref<1x128xi32, #tpu.memory_space<vmem>> -> memref<128xi32, #tpu.memory_space<vmem>>
        %dma_start3A_190 = arith.constant 0 : i32
        %dma_start3A_191 = arith.constant 0 : i32
        %dma_start3A_192 = tpu.memref_slice %arg3[%dma_start3A_190, %dma_start3A_191] : memref<100000x128xf32, #tpu.memory_space<hbm>> -> memref<100000x128xf32, #tpu.memory_space<hbm>>
        tpu.enqueue_indirect_dma source(%dma_start3A_192 : memref<100000x128xf32, #tpu.memory_space<hbm>>) target(%arg9 : memref<128x128xf32, #tpu.memory_space<vmem>>) offsets(%dma_start3A_189 : memref<128xi32, #tpu.memory_space<vmem>>) semaphore(%arg14 : memref<!tpu.dma_semaphore, #tpu.memory_space<semaphore_mem>>)
      } else {
      }
      %add3A_83 = arith.constant 1 : i32
      %add3A_84 = arith.addi %add3A_60, %add3A_83 : i32
      %dma_wait3A_85 = arith.constant 0 : i32
      %dma_wait3A_86 = arith.constant 0 : i32
      %dma_wait3A_87 = tpu.memref_slice %arg5[%dma_wait3A_85, %dma_wait3A_86] : memref<50x128xi32, #tpu.memory_space<vmem>> -> memref<1x128xi32, #tpu.memory_space<vmem>>
      %dma_wait3A_88 = tpu.memref_squeeze %dma_wait3A_87 : memref<1x128xi32, #tpu.memory_space<vmem>> -> memref<128xi32, #tpu.memory_space<vmem>>
      %dma_wait3A_89 = arith.constant 0 : i32
      %dma_wait3A_90 = arith.constant 0 : i32
      %dma_wait3A_91 = tpu.memref_slice %arg3[%dma_wait3A_89, %dma_wait3A_90] : memref<100000x128xf32, #tpu.memory_space<hbm>> -> memref<100000x128xf32, #tpu.memory_space<hbm>>
      tpu.wait_indirect_dma semaphore(%arg12 : memref<!tpu.dma_semaphore, #tpu.memory_space<semaphore_mem>>) src(%dma_wait3A_91 : memref<100000x128xf32, #tpu.memory_space<hbm>>) dst(%arg7 : memref<128x128xf32, #tpu.memory_space<vmem>>)
      %mul3A_92 = arith.constant 4096 : i32
      %mul3A_93 = arith.muli %add3A_84, %mul3A_92 : i32
      %add3A_94 = arith.addi %mul3A_93, %mul3A_2 : i32
      %dma_start3A_95 = tpu.memref_reshape %arg4 : memref<50x4096x128xf32, #tpu.memory_space<hbm>> -> memref<204800x128xf32, #tpu.memory_space<hbm>>
      %dma_start3A_96 = arith.constant 0 : i32
      %dma_start3A_97 = tpu.memref_slice %dma_start3A_95[%add3A_94, %dma_start3A_96] : memref<204800x128xf32, #tpu.memory_space<hbm>> -> memref<128x128xf32, #tpu.memory_space<hbm>>
      %dma_start3A_98 = tpu.memref_reshape %arg4 : memref<50x4096x128xf32, #tpu.memory_space<hbm>> -> memref<204800x128xf32, #tpu.memory_space<hbm>>
      %dma_start3A_99 = arith.constant 0 : i32
      %dma_start3A_100 = tpu.memref_slice %dma_start3A_98[%add3A_94, %dma_start3A_99] : memref<204800x128xf32, #tpu.memory_space<hbm>> -> memref<128x128xf32, #tpu.memory_space<hbm>>
      tpu.enqueue_dma source(%arg7 : memref<128x128xf32, #tpu.memory_space<vmem>>) target(%dma_start3A_100 : memref<128x128xf32, #tpu.memory_space<hbm>>) target_semaphore(%arg17 : memref<!tpu.dma_semaphore, #tpu.memory_space<semaphore_mem>>)
      %add3A_101 = arith.constant 3 : i32
      %add3A_102 = arith.addi %add3A_84, %add3A_101 : i32
      %lt3A_103 = arith.constant 50 : i32
      %lt3A_104 = arith.cmpi slt, %add3A_102, %lt3A_103 : i32
      %convert_element_type3A_105 = arith.extui %lt3A_104 : i1 to i32
      %cond3A_106 = arith.constant 0 : i32
      %cond3A_107 = arith.cmpi ne, %convert_element_type3A_105, %cond3A_106 : i32
      scf.if %cond3A_107 {
        %ge3A = arith.constant 5 : i32
        %ge3A_183 = arith.cmpi sge, %add3A_102, %ge3A : i32
        %convert_element_type3A_184 = arith.extui %ge3A_183 : i1 to i32
        %cond3A_185 = arith.constant 0 : i32
        %cond3A_186 = arith.cmpi ne, %convert_element_type3A_184, %cond3A_185 : i32
        scf.if %cond3A_186 {
          %dma_wait3A_193 = tpu.memref_reshape %arg4 : memref<50x4096x128xf32, #tpu.memory_space<hbm>> -> memref<204800x128xf32, #tpu.memory_space<hbm>>
          %dma_wait3A_194 = arith.constant 0 : i32
          %dma_wait3A_195 = tpu.memref_slice %dma_wait3A_193[%mul3A_2, %dma_wait3A_194] : memref<204800x128xf32, #tpu.memory_space<hbm>> -> memref<128x128xf32, #tpu.memory_space<hbm>>
          %dma_wait3A_196 = tpu.memref_reshape %arg4 : memref<50x4096x128xf32, #tpu.memory_space<hbm>> -> memref<204800x128xf32, #tpu.memory_space<hbm>>
          %dma_wait3A_197 = arith.constant 0 : i32
          %dma_wait3A_198 = tpu.memref_slice %dma_wait3A_196[%mul3A_2, %dma_wait3A_197] : memref<204800x128xf32, #tpu.memory_space<hbm>> -> memref<128x128xf32, #tpu.memory_space<hbm>>
          tpu.wait_dma2 semaphore(%arg20 : memref<!tpu.dma_semaphore, #tpu.memory_space<semaphore_mem>>) src(%arg10 : memref<128x128xf32, #tpu.memory_space<vmem>>) dst(%dma_wait3A_198 : memref<128x128xf32, #tpu.memory_space<hbm>>)
        } else {
        }
        %dma_start3A_187 = arith.constant 0 : i32
        %dma_start3A_188 = tpu.memref_slice %arg5[%add3A_102, %dma_start3A_187] : memref<50x128xi32, #tpu.memory_space<vmem>> -> memref<1x128xi32, #tpu.memory_space<vmem>>
        %dma_start3A_189 = tpu.memref_squeeze %dma_start3A_188 : memref<1x128xi32, #tpu.memory_space<vmem>> -> memref<128xi32, #tpu.memory_space<vmem>>
        %dma_start3A_190 = arith.constant 0 : i32
        %dma_start3A_191 = arith.constant 0 : i32
        %dma_start3A_192 = tpu.memref_slice %arg3[%dma_start3A_190, %dma_start3A_191] : memref<100000x128xf32, #tpu.memory_space<hbm>> -> memref<100000x128xf32, #tpu.memory_space<hbm>>
        tpu.enqueue_indirect_dma source(%dma_start3A_192 : memref<100000x128xf32, #tpu.memory_space<hbm>>) target(%arg10 : memref<128x128xf32, #tpu.memory_space<vmem>>) offsets(%dma_start3A_189 : memref<128xi32, #tpu.memory_space<vmem>>) semaphore(%arg15 : memref<!tpu.dma_semaphore, #tpu.memory_space<semaphore_mem>>)
      } else {
      }
      %add3A_108 = arith.constant 2 : i32
      %add3A_109 = arith.addi %add3A_60, %add3A_108 : i32
      %dma_wait3A_110 = arith.constant 0 : i32
      %dma_wait3A_111 = arith.constant 0 : i32
      %dma_wait3A_112 = tpu.memref_slice %arg5[%dma_wait3A_110, %dma_wait3A_111] : memref<50x128xi32, #tpu.memory_space<vmem>> -> memref<1x128xi32, #tpu.memory_space<vmem>>
      %dma_wait3A_113 = tpu.memref_squeeze %dma_wait3A_112 : memref<1x128xi32, #tpu.memory_space<vmem>> -> memref<128xi32, #tpu.memory_space<vmem>>
      %dma_wait3A_114 = arith.constant 0 : i32
      %dma_wait3A_115 = arith.constant 0 : i32
      %dma_wait3A_116 = tpu.memref_slice %arg3[%dma_wait3A_114, %dma_wait3A_115] : memref<100000x128xf32, #tpu.memory_space<hbm>> -> memref<100000x128xf32, #tpu.memory_space<hbm>>
      tpu.wait_indirect_dma semaphore(%arg13 : memref<!tpu.dma_semaphore, #tpu.memory_space<semaphore_mem>>) src(%dma_wait3A_116 : memref<100000x128xf32, #tpu.memory_space<hbm>>) dst(%arg8 : memref<128x128xf32, #tpu.memory_space<vmem>>)
      %mul3A_117 = arith.constant 4096 : i32
      %mul3A_118 = arith.muli %add3A_109, %mul3A_117 : i32
      %add3A_119 = arith.addi %mul3A_118, %mul3A_2 : i32
      %dma_start3A_120 = tpu.memref_reshape %arg4 : memref<50x4096x128xf32, #tpu.memory_space<hbm>> -> memref<204800x128xf32, #tpu.memory_space<hbm>>
      %dma_start3A_121 = arith.constant 0 : i32
      %dma_start3A_122 = tpu.memref_slice %dma_start3A_120[%add3A_119, %dma_start3A_121] : memref<204800x128xf32, #tpu.memory_space<hbm>> -> memref<128x128xf32, #tpu.memory_space<hbm>>
      %dma_start3A_123 = tpu.memref_reshape %arg4 : memref<50x4096x128xf32, #tpu.memory_space<hbm>> -> memref<204800x128xf32, #tpu.memory_space<hbm>>
      %dma_start3A_124 = arith.constant 0 : i32
      %dma_start3A_125 = tpu.memref_slice %dma_start3A_123[%add3A_119, %dma_start3A_124] : memref<204800x128xf32, #tpu.memory_space<hbm>> -> memref<128x128xf32, #tpu.memory_space<hbm>>
      tpu.enqueue_dma source(%arg8 : memref<128x128xf32, #tpu.memory_space<vmem>>) target(%dma_start3A_125 : memref<128x128xf32, #tpu.memory_space<hbm>>) target_semaphore(%arg18 : memref<!tpu.dma_semaphore, #tpu.memory_space<semaphore_mem>>)
      %add3A_126 = arith.constant 3 : i32
      %add3A_127 = arith.addi %add3A_109, %add3A_126 : i32
      %lt3A_128 = arith.constant 50 : i32
      %lt3A_129 = arith.cmpi slt, %add3A_127, %lt3A_128 : i32
      %convert_element_type3A_130 = arith.extui %lt3A_129 : i1 to i32
      %cond3A_131 = arith.constant 0 : i32
      %cond3A_132 = arith.cmpi ne, %convert_element_type3A_130, %cond3A_131 : i32
      scf.if %cond3A_132 {
        %ge3A = arith.constant 5 : i32
        %ge3A_183 = arith.cmpi sge, %add3A_127, %ge3A : i32
        %convert_element_type3A_184 = arith.extui %ge3A_183 : i1 to i32
        %cond3A_185 = arith.constant 0 : i32
        %cond3A_186 = arith.cmpi ne, %convert_element_type3A_184, %cond3A_185 : i32
        scf.if %cond3A_186 {
          %dma_wait3A_193 = tpu.memref_reshape %arg4 : memref<50x4096x128xf32, #tpu.memory_space<hbm>> -> memref<204800x128xf32, #tpu.memory_space<hbm>>
          %dma_wait3A_194 = arith.constant 0 : i32
          %dma_wait3A_195 = tpu.memref_slice %dma_wait3A_193[%mul3A_2, %dma_wait3A_194] : memref<204800x128xf32, #tpu.memory_space<hbm>> -> memref<128x128xf32, #tpu.memory_space<hbm>>
          %dma_wait3A_196 = tpu.memref_reshape %arg4 : memref<50x4096x128xf32, #tpu.memory_space<hbm>> -> memref<204800x128xf32, #tpu.memory_space<hbm>>
          %dma_wait3A_197 = arith.constant 0 : i32
          %dma_wait3A_198 = tpu.memref_slice %dma_wait3A_196[%mul3A_2, %dma_wait3A_197] : memref<204800x128xf32, #tpu.memory_space<hbm>> -> memref<128x128xf32, #tpu.memory_space<hbm>>
          tpu.wait_dma2 semaphore(%arg16 : memref<!tpu.dma_semaphore, #tpu.memory_space<semaphore_mem>>) src(%arg6 : memref<128x128xf32, #tpu.memory_space<vmem>>) dst(%dma_wait3A_198 : memref<128x128xf32, #tpu.memory_space<hbm>>)
        } else {
        }
        %dma_start3A_187 = arith.constant 0 : i32
        %dma_start3A_188 = tpu.memref_slice %arg5[%add3A_127, %dma_start3A_187] : memref<50x128xi32, #tpu.memory_space<vmem>> -> memref<1x128xi32, #tpu.memory_space<vmem>>
        %dma_start3A_189 = tpu.memref_squeeze %dma_start3A_188 : memref<1x128xi32, #tpu.memory_space<vmem>> -> memref<128xi32, #tpu.memory_space<vmem>>
        %dma_start3A_190 = arith.constant 0 : i32
        %dma_start3A_191 = arith.constant 0 : i32
        %dma_start3A_192 = tpu.memref_slice %arg3[%dma_start3A_190, %dma_start3A_191] : memref<100000x128xf32, #tpu.memory_space<hbm>> -> memref<100000x128xf32, #tpu.memory_space<hbm>>
        tpu.enqueue_indirect_dma source(%dma_start3A_192 : memref<100000x128xf32, #tpu.memory_space<hbm>>) target(%arg6 : memref<128x128xf32, #tpu.memory_space<vmem>>) offsets(%dma_start3A_189 : memref<128xi32, #tpu.memory_space<vmem>>) semaphore(%arg11 : memref<!tpu.dma_semaphore, #tpu.memory_space<semaphore_mem>>)
      } else {
      }
      %add3A_133 = arith.constant 3 : i32
      %add3A_134 = arith.addi %add3A_60, %add3A_133 : i32
      %dma_wait3A_135 = arith.constant 0 : i32
      %dma_wait3A_136 = arith.constant 0 : i32
      %dma_wait3A_137 = tpu.memref_slice %arg5[%dma_wait3A_135, %dma_wait3A_136] : memref<50x128xi32, #tpu.memory_space<vmem>> -> memref<1x128xi32, #tpu.memory_space<vmem>>
      %dma_wait3A_138 = tpu.memref_squeeze %dma_wait3A_137 : memref<1x128xi32, #tpu.memory_space<vmem>> -> memref<128xi32, #tpu.memory_space<vmem>>
      %dma_wait3A_139 = arith.constant 0 : i32
      %dma_wait3A_140 = arith.constant 0 : i32
      %dma_wait3A_141 = tpu.memref_slice %arg3[%dma_wait3A_139, %dma_wait3A_140] : memref<100000x128xf32, #tpu.memory_space<hbm>> -> memref<100000x128xf32, #tpu.memory_space<hbm>>
      tpu.wait_indirect_dma semaphore(%arg14 : memref<!tpu.dma_semaphore, #tpu.memory_space<semaphore_mem>>) src(%dma_wait3A_141 : memref<100000x128xf32, #tpu.memory_space<hbm>>) dst(%arg9 : memref<128x128xf32, #tpu.memory_space<vmem>>)
      %mul3A_142 = arith.constant 4096 : i32
      %mul3A_143 = arith.muli %add3A_134, %mul3A_142 : i32
      %add3A_144 = arith.addi %mul3A_143, %mul3A_2 : i32
      %dma_start3A_145 = tpu.memref_reshape %arg4 : memref<50x4096x128xf32, #tpu.memory_space<hbm>> -> memref<204800x128xf32, #tpu.memory_space<hbm>>
      %dma_start3A_146 = arith.constant 0 : i32
      %dma_start3A_147 = tpu.memref_slice %dma_start3A_145[%add3A_144, %dma_start3A_146] : memref<204800x128xf32, #tpu.memory_space<hbm>> -> memref<128x128xf32, #tpu.memory_space<hbm>>
      %dma_start3A_148 = tpu.memref_reshape %arg4 : memref<50x4096x128xf32, #tpu.memory_space<hbm>> -> memref<204800x128xf32, #tpu.memory_space<hbm>>
      %dma_start3A_149 = arith.constant 0 : i32
      %dma_start3A_150 = tpu.memref_slice %dma_start3A_148[%add3A_144, %dma_start3A_149] : memref<204800x128xf32, #tpu.memory_space<hbm>> -> memref<128x128xf32, #tpu.memory_space<hbm>>
      tpu.enqueue_dma source(%arg9 : memref<128x128xf32, #tpu.memory_space<vmem>>) target(%dma_start3A_150 : memref<128x128xf32, #tpu.memory_space<hbm>>) target_semaphore(%arg19 : memref<!tpu.dma_semaphore, #tpu.memory_space<semaphore_mem>>)
      %add3A_151 = arith.constant 3 : i32
      %add3A_152 = arith.addi %add3A_134, %add3A_151 : i32
      %lt3A_153 = arith.constant 50 : i32
      %lt3A_154 = arith.cmpi slt, %add3A_152, %lt3A_153 : i32
      %convert_element_type3A_155 = arith.extui %lt3A_154 : i1 to i32
      %cond3A_156 = arith.constant 0 : i32
      %cond3A_157 = arith.cmpi ne, %convert_element_type3A_155, %cond3A_156 : i32
      scf.if %cond3A_157 {
        %ge3A = arith.constant 5 : i32
        %ge3A_183 = arith.cmpi sge, %add3A_152, %ge3A : i32
        %convert_element_type3A_184 = arith.extui %ge3A_183 : i1 to i32
        %cond3A_185 = arith.constant 0 : i32
        %cond3A_186 = arith.cmpi ne, %convert_element_type3A_184, %cond3A_185 : i32
        scf.if %cond3A_186 {
          %dma_wait3A_193 = tpu.memref_reshape %arg4 : memref<50x4096x128xf32, #tpu.memory_space<hbm>> -> memref<204800x128xf32, #tpu.memory_space<hbm>>
          %dma_wait3A_194 = arith.constant 0 : i32
          %dma_wait3A_195 = tpu.memref_slice %dma_wait3A_193[%mul3A_2, %dma_wait3A_194] : memref<204800x128xf32, #tpu.memory_space<hbm>> -> memref<128x128xf32, #tpu.memory_space<hbm>>
          %dma_wait3A_196 = tpu.memref_reshape %arg4 : memref<50x4096x128xf32, #tpu.memory_space<hbm>> -> memref<204800x128xf32, #tpu.memory_space<hbm>>
          %dma_wait3A_197 = arith.constant 0 : i32
          %dma_wait3A_198 = tpu.memref_slice %dma_wait3A_196[%mul3A_2, %dma_wait3A_197] : memref<204800x128xf32, #tpu.memory_space<hbm>> -> memref<128x128xf32, #tpu.memory_space<hbm>>
          tpu.wait_dma2 semaphore(%arg17 : memref<!tpu.dma_semaphore, #tpu.memory_space<semaphore_mem>>) src(%arg7 : memref<128x128xf32, #tpu.memory_space<vmem>>) dst(%dma_wait3A_198 : memref<128x128xf32, #tpu.memory_space<hbm>>)
        } else {
        }
        %dma_start3A_187 = arith.constant 0 : i32
        %dma_start3A_188 = tpu.memref_slice %arg5[%add3A_152, %dma_start3A_187] : memref<50x128xi32, #tpu.memory_space<vmem>> -> memref<1x128xi32, #tpu.memory_space<vmem>>
        %dma_start3A_189 = tpu.memref_squeeze %dma_start3A_188 : memref<1x128xi32, #tpu.memory_space<vmem>> -> memref<128xi32, #tpu.memory_space<vmem>>
        %dma_start3A_190 = arith.constant 0 : i32
        %dma_start3A_191 = arith.constant 0 : i32
        %dma_start3A_192 = tpu.memref_slice %arg3[%dma_start3A_190, %dma_start3A_191] : memref<100000x128xf32, #tpu.memory_space<hbm>> -> memref<100000x128xf32, #tpu.memory_space<hbm>>
        tpu.enqueue_indirect_dma source(%dma_start3A_192 : memref<100000x128xf32, #tpu.memory_space<hbm>>) target(%arg7 : memref<128x128xf32, #tpu.memory_space<vmem>>) offsets(%dma_start3A_189 : memref<128xi32, #tpu.memory_space<vmem>>) semaphore(%arg12 : memref<!tpu.dma_semaphore, #tpu.memory_space<semaphore_mem>>)
      } else {
      }
      %add3A_158 = arith.constant 4 : i32
      %add3A_159 = arith.addi %add3A_60, %add3A_158 : i32
      %dma_wait3A_160 = arith.constant 0 : i32
      %dma_wait3A_161 = arith.constant 0 : i32
      %dma_wait3A_162 = tpu.memref_slice %arg5[%dma_wait3A_160, %dma_wait3A_161] : memref<50x128xi32, #tpu.memory_space<vmem>> -> memref<1x128xi32, #tpu.memory_space<vmem>>
      %dma_wait3A_163 = tpu.memref_squeeze %dma_wait3A_162 : memref<1x128xi32, #tpu.memory_space<vmem>> -> memref<128xi32, #tpu.memory_space<vmem>>
      %dma_wait3A_164 = arith.constant 0 : i32
      %dma_wait3A_165 = arith.constant 0 : i32
      %dma_wait3A_166 = tpu.memref_slice %arg3[%dma_wait3A_164, %dma_wait3A_165] : memref<100000x128xf32, #tpu.memory_space<hbm>> -> memref<100000x128xf32, #tpu.memory_space<hbm>>
      tpu.wait_indirect_dma semaphore(%arg15 : memref<!tpu.dma_semaphore, #tpu.memory_space<semaphore_mem>>) src(%dma_wait3A_166 : memref<100000x128xf32, #tpu.memory_space<hbm>>) dst(%arg10 : memref<128x128xf32, #tpu.memory_space<vmem>>)
      %mul3A_167 = arith.constant 4096 : i32
      %mul3A_168 = arith.muli %add3A_159, %mul3A_167 : i32
      %add3A_169 = arith.addi %mul3A_168, %mul3A_2 : i32
      %dma_start3A_170 = tpu.memref_reshape %arg4 : memref<50x4096x128xf32, #tpu.memory_space<hbm>> -> memref<204800x128xf32, #tpu.memory_space<hbm>>
      %dma_start3A_171 = arith.constant 0 : i32
      %dma_start3A_172 = tpu.memref_slice %dma_start3A_170[%add3A_169, %dma_start3A_171] : memref<204800x128xf32, #tpu.memory_space<hbm>> -> memref<128x128xf32, #tpu.memory_space<hbm>>
      %dma_start3A_173 = tpu.memref_reshape %arg4 : memref<50x4096x128xf32, #tpu.memory_space<hbm>> -> memref<204800x128xf32, #tpu.memory_space<hbm>>
      %dma_start3A_174 = arith.constant 0 : i32
      %dma_start3A_175 = tpu.memref_slice %dma_start3A_173[%add3A_169, %dma_start3A_174] : memref<204800x128xf32, #tpu.memory_space<hbm>> -> memref<128x128xf32, #tpu.memory_space<hbm>>
      tpu.enqueue_dma source(%arg10 : memref<128x128xf32, #tpu.memory_space<vmem>>) target(%dma_start3A_175 : memref<128x128xf32, #tpu.memory_space<hbm>>) target_semaphore(%arg20 : memref<!tpu.dma_semaphore, #tpu.memory_space<semaphore_mem>>)
      %add3A_176 = arith.constant 3 : i32
      %add3A_177 = arith.addi %add3A_159, %add3A_176 : i32
      %lt3A_178 = arith.constant 50 : i32
      %lt3A_179 = arith.cmpi slt, %add3A_177, %lt3A_178 : i32
      %convert_element_type3A_180 = arith.extui %lt3A_179 : i1 to i32
      %cond3A_181 = arith.constant 0 : i32
      %cond3A_182 = arith.cmpi ne, %convert_element_type3A_180, %cond3A_181 : i32
      scf.if %cond3A_182 {
        %ge3A = arith.constant 5 : i32
        %ge3A_183 = arith.cmpi sge, %add3A_177, %ge3A : i32
        %convert_element_type3A_184 = arith.extui %ge3A_183 : i1 to i32
        %cond3A_185 = arith.constant 0 : i32
        %cond3A_186 = arith.cmpi ne, %convert_element_type3A_184, %cond3A_185 : i32
        scf.if %cond3A_186 {
          %dma_wait3A_193 = tpu.memref_reshape %arg4 : memref<50x4096x128xf32, #tpu.memory_space<hbm>> -> memref<204800x128xf32, #tpu.memory_space<hbm>>
          %dma_wait3A_194 = arith.constant 0 : i32
          %dma_wait3A_195 = tpu.memref_slice %dma_wait3A_193[%mul3A_2, %dma_wait3A_194] : memref<204800x128xf32, #tpu.memory_space<hbm>> -> memref<128x128xf32, #tpu.memory_space<hbm>>
          %dma_wait3A_196 = tpu.memref_reshape %arg4 : memref<50x4096x128xf32, #tpu.memory_space<hbm>> -> memref<204800x128xf32, #tpu.memory_space<hbm>>
          %dma_wait3A_197 = arith.constant 0 : i32
          %dma_wait3A_198 = tpu.memref_slice %dma_wait3A_196[%mul3A_2, %dma_wait3A_197] : memref<204800x128xf32, #tpu.memory_space<hbm>> -> memref<128x128xf32, #tpu.memory_space<hbm>>
          tpu.wait_dma2 semaphore(%arg18 : memref<!tpu.dma_semaphore, #tpu.memory_space<semaphore_mem>>) src(%arg8 : memref<128x128xf32, #tpu.memory_space<vmem>>) dst(%dma_wait3A_198 : memref<128x128xf32, #tpu.memory_space<hbm>>)
        } else {
        }
        %dma_start3A_187 = arith.constant 0 : i32
        %dma_start3A_188 = tpu.memref_slice %arg5[%add3A_177, %dma_start3A_187] : memref<50x128xi32, #tpu.memory_space<vmem>> -> memref<1x128xi32, #tpu.memory_space<vmem>>
        %dma_start3A_189 = tpu.memref_squeeze %dma_start3A_188 : memref<1x128xi32, #tpu.memory_space<vmem>> -> memref<128xi32, #tpu.memory_space<vmem>>
        %dma_start3A_190 = arith.constant 0 : i32
        %dma_start3A_191 = arith.constant 0 : i32
        %dma_start3A_192 = tpu.memref_slice %arg3[%dma_start3A_190, %dma_start3A_191] : memref<100000x128xf32, #tpu.memory_space<hbm>> -> memref<100000x128xf32, #tpu.memory_space<hbm>>
        tpu.enqueue_indirect_dma source(%dma_start3A_192 : memref<100000x128xf32, #tpu.memory_space<hbm>>) target(%arg8 : memref<128x128xf32, #tpu.memory_space<vmem>>) offsets(%dma_start3A_189 : memref<128xi32, #tpu.memory_space<vmem>>) semaphore(%arg13 : memref<!tpu.dma_semaphore, #tpu.memory_space<semaphore_mem>>)
      } else {
      }
    }
    %scan3A_26 = arith.constant 10 : i32
    %dma_wait3A = tpu.memref_reshape %arg4 : memref<50x4096x128xf32, #tpu.memory_space<hbm>> -> memref<204800x128xf32, #tpu.memory_space<hbm>>
    %dma_wait3A_27 = arith.constant 0 : i32
    %dma_wait3A_28 = tpu.memref_slice %dma_wait3A[%mul3A_2, %dma_wait3A_27] : memref<204800x128xf32, #tpu.memory_space<hbm>> -> memref<128x128xf32, #tpu.memory_space<hbm>>
    %dma_wait3A_29 = tpu.memref_reshape %arg4 : memref<50x4096x128xf32, #tpu.memory_space<hbm>> -> memref<204800x128xf32, #tpu.memory_space<hbm>>
    %dma_wait3A_30 = arith.constant 0 : i32
    %dma_wait3A_31 = tpu.memref_slice %dma_wait3A_29[%mul3A_2, %dma_wait3A_30] : memref<204800x128xf32, #tpu.memory_space<hbm>> -> memref<128x128xf32, #tpu.memory_space<hbm>>
    tpu.wait_dma2 semaphore(%arg16 : memref<!tpu.dma_semaphore, #tpu.memory_space<semaphore_mem>>) src(%arg6 : memref<128x128xf32, #tpu.memory_space<vmem>>) dst(%dma_wait3A_31 : memref<128x128xf32, #tpu.memory_space<hbm>>)
    %dma_wait3A_32 = tpu.memref_reshape %arg4 : memref<50x4096x128xf32, #tpu.memory_space<hbm>> -> memref<204800x128xf32, #tpu.memory_space<hbm>>
    %dma_wait3A_33 = arith.constant 0 : i32
    %dma_wait3A_34 = tpu.memref_slice %dma_wait3A_32[%mul3A_2, %dma_wait3A_33] : memref<204800x128xf32, #tpu.memory_space<hbm>> -> memref<128x128xf32, #tpu.memory_space<hbm>>
    %dma_wait3A_35 = tpu.memref_reshape %arg4 : memref<50x4096x128xf32, #tpu.memory_space<hbm>> -> memref<204800x128xf32, #tpu.memory_space<hbm>>
    %dma_wait3A_36 = arith.constant 0 : i32
    %dma_wait3A_37 = tpu.memref_slice %dma_wait3A_35[%mul3A_2, %dma_wait3A_36] : memref<204800x128xf32, #tpu.memory_space<hbm>> -> memref<128x128xf32, #tpu.memory_space<hbm>>
    tpu.wait_dma2 semaphore(%arg17 : memref<!tpu.dma_semaphore, #tpu.memory_space<semaphore_mem>>) src(%arg7 : memref<128x128xf32, #tpu.memory_space<vmem>>) dst(%dma_wait3A_37 : memref<128x128xf32, #tpu.memory_space<hbm>>)
    %dma_wait3A_38 = tpu.memref_reshape %arg4 : memref<50x4096x128xf32, #tpu.memory_space<hbm>> -> memref<204800x128xf32, #tpu.memory_space<hbm>>
    %dma_wait3A_39 = arith.constant 0 : i32
    %dma_wait3A_40 = tpu.memref_slice %dma_wait3A_38[%mul3A_2, %dma_wait3A_39] : memref<204800x128xf32, #tpu.memory_space<hbm>> -> memref<128x128xf32, #tpu.memory_space<hbm>>
    %dma_wait3A_41 = tpu.memref_reshape %arg4 : memref<50x4096x128xf32, #tpu.memory_space<hbm>> -> memref<204800x128xf32, #tpu.memory_space<hbm>>
    %dma_wait3A_42 = arith.constant 0 : i32
    %dma_wait3A_43 = tpu.memref_slice %dma_wait3A_41[%mul3A_2, %dma_wait3A_42] : memref<204800x128xf32, #tpu.memory_space<hbm>> -> memref<128x128xf32, #tpu.memory_space<hbm>>
    tpu.wait_dma2 semaphore(%arg18 : memref<!tpu.dma_semaphore, #tpu.memory_space<semaphore_mem>>) src(%arg8 : memref<128x128xf32, #tpu.memory_space<vmem>>) dst(%dma_wait3A_43 : memref<128x128xf32, #tpu.memory_space<hbm>>)
    %dma_wait3A_44 = tpu.memref_reshape %arg4 : memref<50x4096x128xf32, #tpu.memory_space<hbm>> -> memref<204800x128xf32, #tpu.memory_space<hbm>>
    %dma_wait3A_45 = arith.constant 0 : i32
    %dma_wait3A_46 = tpu.memref_slice %dma_wait3A_44[%mul3A_2, %dma_wait3A_45] : memref<204800x128xf32, #tpu.memory_space<hbm>> -> memref<128x128xf32, #tpu.memory_space<hbm>>
    %dma_wait3A_47 = tpu.memref_reshape %arg4 : memref<50x4096x128xf32, #tpu.memory_space<hbm>> -> memref<204800x128xf32, #tpu.memory_space<hbm>>
    %dma_wait3A_48 = arith.constant 0 : i32
    %dma_wait3A_49 = tpu.memref_slice %dma_wait3A_47[%mul3A_2, %dma_wait3A_48] : memref<204800x128xf32, #tpu.memory_space<hbm>> -> memref<128x128xf32, #tpu.memory_space<hbm>>
    tpu.wait_dma2 semaphore(%arg19 : memref<!tpu.dma_semaphore, #tpu.memory_space<semaphore_mem>>) src(%arg9 : memref<128x128xf32, #tpu.memory_space<vmem>>) dst(%dma_wait3A_49 : memref<128x128xf32, #tpu.memory_space<hbm>>)
    %dma_wait3A_50 = tpu.memref_reshape %arg4 : memref<50x4096x128xf32, #tpu.memory_space<hbm>> -> memref<204800x128xf32, #tpu.memory_space<hbm>>
    %dma_wait3A_51 = arith.constant 0 : i32
    %dma_wait3A_52 = tpu.memref_slice %dma_wait3A_50[%mul3A_2, %dma_wait3A_51] : memref<204800x128xf32, #tpu.memory_space<hbm>> -> memref<128x128xf32, #tpu.memory_space<hbm>>
    %dma_wait3A_53 = tpu.memref_reshape %arg4 : memref<50x4096x128xf32, #tpu.memory_space<hbm>> -> memref<204800x128xf32, #tpu.memory_space<hbm>>
    %dma_wait3A_54 = arith.constant 0 : i32
    %dma_wait3A_55 = tpu.memref_slice %dma_wait3A_53[%mul3A_2, %dma_wait3A_54] : memref<204800x128xf32, #tpu.memory_space<hbm>> -> memref<128x128xf32, #tpu.memory_space<hbm>>
    tpu.wait_dma2 semaphore(%arg20 : memref<!tpu.dma_semaphore, #tpu.memory_space<semaphore_mem>>) src(%arg10 : memref<128x128xf32, #tpu.memory_space<vmem>>) dst(%dma_wait3A_55 : memref<128x128xf32, #tpu.memory_space<hbm>>)
    return
  }
}

</mosaic_0001>

<sc_bundles>
// kernel: kernel.3.cloned.1.call-start
scs
__scs_entry_jumppad:
0x0: {  	(pc) =	sbr.rel $0x88, $3  }
0x1: {  	(tag) =	ssettag $0x0;
	lr =	simm.s32 $0x1  }
0x2: {  	[smem:$0x3F9F] =	sst lr;
	_ =	strace $0xD0000000  }
0x3: {  	_ = 	snop  }
0x4: {  	_ = 	snop  }
0x5: {  	_ = 	snop  }
0x6: {  	_ = 	snop  }
0x7: {  	_ = 	snop  }
__scs_overlays_trampoline_lowered:
0x8: {  	[smem:$0x3FAE] =	sst s0  }
0x9: {  	[smem:$0x3FAF] =	sst s1  }
0xa: {  	[smem:$0x3FB0] =	sst s2  }
0xb: {  	[smem:$0x3FB1] =	sst s3  }
0xc: {  	[smem:$0x3FB2] =	sst s4  }
0xd: {  	[smem:$0x3FB3] =	sst s5  }
0xe: {  	[smem:$0x3FB4] =	sst s6  }
0xf: {  	[smem:$0x3FB5] =	sst s7  }
0x10: {  	[smem:$0x3FB6] =	sst s8  }
0x11: {  	[smem:$0x3FB7] =	sst s9;
	s0 =	simm.s32 @!p0 $0x0  }
0x12: {  	s1 =	sld [smem:$0x3F9D];
	s0 =	simm.s32 @p0 $0x1  }
0x13: {  	[smem:$0x3FB8] =	sst s0;
	s0 =	simm.s32 @!p1 $0x0  }
0x14: {  	s2 =	sld [smem:$0x3F9C];
	s0 =	simm.s32 @p1 $0x1  }
0x15: {  	[smem:$0x3FB9] =	sst s0;
	s0 =	simm.s32 @!p2 $0x0  }
0x16: {  	s3 =	sld [smem:$0x3FDB];
	s0 =	simm.s32 @p2 $0x1  }
0x17: {  	s4 =	simm.s32 $0x1BF5;
	[smem:$0x3FBB] =	sst s0  }
0x18: {  	s0 =	sld [smem:$0x3F9E];
	_ =	swait.ge [sflag:s4], $0x0  }
0x19: {  	s7 =	sld [smem:$0x3F9F]  }
0x1a: {  	s8 =	sadd.s32 $0xFFFFE003, lr  }
0x1b: {  	s9 =	sadd.s32 $0xFFFFFEF7, lr;
	s5 =	simm.s32 $0xFFFFFFFF;
	p2 =	slt.u32 s8, $0xFFFFF086  }
0x1c: {  	p1 =	slt.u32 s9, $0xF7A;
	s5 =	simm.s32 @!p2 $0x0  }
0x1d: {  	s5 =	simm.s32 @p1 $0x1;
	p0 =	seq.s32 s7, s2  }
0x1e: {  	s7 =	smul.u32 @!p0 $0xF7A, s2;
	p2 =	seq.s32 @!p0 s5, $0x0  }
0x1f: {  	s9 =	smul.u32 $0xF7A, s1;
	s8 =	simm.s32 @!p0 $0x1BF5;
	p2 =	por !p2, p0  }
0x20: {  	[sflag:s8] =	ssyncset.s32 @!p0 $0xFFFFF086;
	s6 =	sadd.s32 @!p0 s3, s7;
	s7 =	simm.s32 @!p0 $0x108  }
0x21: {  	s3 =	sadd.s32 s3, s9;
	s6 =	sadd.s32 @!p0 $0x88, s6;
	s7 =	simm.s32 @p2 $0x1082  }
0x22: {  	[simem:s7], [sflag:s8] =	dma.local @!p0 [hbm:s6], $0xF7A  }
0x23: {  	s9 =	sor.u32 $0xD0000000, s2;
	s6 =	simm.s32 $0x108;
	_ =	swait.ge @!p0 [sflag:s8], $0x0  }
0x24: {  	s3 =	sadd.s32 $0x88, s3;
	s6 =	simm.s32 @!p1 $0x1082;
	[sflag:s4] =	ssyncset.s32 $0xFFFFF086  }
0x25: {  	[simem:s6], [sflag:s4] =	dma.local [hbm:s3], $0xF7A  }
0x26: {  	[smem:$0x3F9F] =	sst s1;
	(tag) =	ssettag s2;
	_ =	strace s9  }
0x27: {  	s1 =	sld [smem:$0x3FAF]  }
0x28: {  	s2 =	sld [smem:$0x3FB0]  }
0x29: {  	s4 =	sld [smem:$0x3FB2]  }
0x2a: {  	p0 =	seq.s32 s5, $0x0;
	s5 =	sld [smem:$0x3FB3]  }
0x2b: {  	s6 =	sld [smem:$0x3FB4]  }
0x2c: {  	s7 =	sld [smem:$0x3FB5]  }
0x2d: {  	s3 =	simm.s32 $0x108;
	s8 =	sld [smem:$0x3FB6]  }
0x2e: {  	s3 =	simm.s32 @!p0 $0x1082;
	s9 =	sld [smem:$0x3FB7]  }
0x2f: {  	lr =	sadd.s32 s0, s3;
	s0 =	sld [smem:$0x3FAE]  }
0x30: {  	s3 =	sld [smem:$0x3FB1]  }
0x31: {  	[smem:$0x3FBA] =	sst s10  }
0x32: {  	s10 =	sld [smem:$0x3FB8];
	_ =	sdelay $0x3  }
0x33: {  	p0 =	seq.s32 s10, $0x1;
	s10 =	sld [smem:$0x3FBA];
	_ =	sdelay $0x3  }
0x34: {  	[smem:$0x3FBA] =	sst s10  }
0x35: {  	s10 =	sld [smem:$0x3FB9];
	_ =	sdelay $0x3  }
0x36: {  	p1 =	seq.s32 s10, $0x1;
	s10 =	sld [smem:$0x3FBA];
	_ =	sdelay $0x3  }
0x37: {  	[smem:$0x3FBA] =	sst s10  }
0x38: {  	s10 =	sld [smem:$0x3FBB]  }
0x39: {  	_ = 	snop;
	(pc) =	sbr.ind lr, $3  }
0x3a: {  	_ = 	snop  }
0x3b: {  	_ = 	snop  }
0x3c: {  	p2 =	seq.s32 s10, $0x1;
	s10 =	sld [smem:$0x3FBA]  }
0x3d: {  	_ =	shalt  }
0x3e: {  	_ =	shalt  }
0x3f: {  	_ =	shalt  }
0x40: {  	_ =	shalt  }
0x41: {  	_ =	shalt  }
0x42: {  	_ =	shalt  }
0x43: {  	_ =	shalt  }
0x44: {  	_ =	shalt  }
0x45: {  	_ =	shalt  }
0x46: {  	_ =	shalt  }
0x47: {  	_ =	shalt  }
0x48: {  	_ =	shalt  }
0x49: {  	_ =	shalt  }
0x4a: {  	_ =	shalt  }
0x4b: {  	_ =	shalt  }
0x4c: {  	_ =	shalt  }
0x4d: {  	_ =	shalt  }
0x4e: {  	_ =	shalt  }
0x4f: {  	_ =	shalt  }
0x50: {  	_ =	shalt  }
0x51: {  	_ =	shalt  }
0x52: {  	_ =	shalt  }
0x53: {  	_ =	shalt  }
0x54: {  	_ =	shalt  }
0x55: {  	_ =	shalt  }
0x56: {  	_ =	shalt  }
0x57: {  	_ =	shalt  }
0x58: {  	_ =	shalt  }
0x59: {  	_ =	shalt  }
0x5a: {  	_ =	shalt  }
0x5b: {  	_ =	shalt  }
0x5c: {  	_ =	shalt  }
0x5d: {  	_ =	shalt  }
0x5e: {  	_ =	shalt  }
0x5f: {  	_ =	shalt  }
0x60: {  	_ =	shalt  }
0x61: {  	_ =	shalt  }
0x62: {  	_ =	shalt  }
0x63: {  	_ =	shalt  }
0x64: {  	_ =	shalt  }
0x65: {  	_ =	shalt  }
0x66: {  	_ =	shalt  }
0x67: {  	_ =	shalt  }
0x68: {  	_ =	shalt  }
0x69: {  	_ =	shalt  }
0x6a: {  	_ =	shalt  }
0x6b: {  	_ =	shalt  }
0x6c: {  	_ =	shalt  }
0x6d: {  	_ =	shalt  }
0x6e: {  	_ =	shalt  }
0x6f: {  	_ =	shalt  }
0x70: {  	_ =	shalt  }
0x71: {  	_ =	shalt  }
0x72: {  	_ =	shalt  }
0x73: {  	_ =	shalt  }
0x74: {  	_ =	shalt  }
0x75: {  	_ =	shalt  }
0x76: {  	_ =	shalt  }
0x77: {  	_ =	shalt  }
0x78: {  	_ =	shalt  }
0x79: {  	_ =	shalt  }
0x7a: {  	_ =	shalt  }
0x7b: {  	_ =	shalt  }
0x7c: {  	_ =	shalt  }
0x7d: {  	_ =	shalt  }
0x7e: {  	_ =	shalt  }
0x7f: {  	_ =	shalt  }
0x80: {  	_ =	shalt  }
0x81: {  	_ =	shalt  }
0x82: {  	_ =	shalt  }
0x83: {  	_ =	shalt  }
0x84: {  	_ =	shalt  }
0x85: {  	_ =	shalt  }
0x86: {  	_ =	shalt  }
0x87: {  	_ =	shalt  }
.Lfunc_end0:
.L_simem_size_0:
called_computation_lowered:
.L_overlay_start_0:
0x88: {  	s2 =	sld [smem:$0x3FD9]  }
0x89: {  	s3 =	sld [smem:$0x3FFE];
	_ =	sdelay $0x1  }
0x8a: {  	s1 =	srdreg.scid  }
0x8b: {  	s0 =	sand.u32 $0x1, s1  }
0x8c: {  	s18 =	sshll.u32 s0, $0xA;
	s2 =	sadd.s32 s3, s2  }
0x8d: {  	s2 =	sadd.s32 s2, s18  }
0x8e: {  	[smem:$0x3FC6] =	sst s2  }
0x8f: {  	_ = 	snop  }
0x90: {  	s2 =	sld [smem:$0x3FC9]  }
0x91: {  	s19 =	sld [smem:$0x3FC8]  }
0x92: {  	s4 =	sld [smem:$0x3FD0];
	(tm) =	ssettm $0x1  }
0x93: {  	s5 =	sld [smem:$0x3FFB];
	_ =	sdelay $0x3  }
0x94: {  	_ =	strace s5  }
0x95: {  	s5 =	sld [smem:$0x3FFC];
	_ =	sdelay $0x3  }
0x96: {  	_ =	strace s5  }
0x97: {  	s5 =	sld [smem:$0x3FFD];
	_ =	sdelay $0x3  }
0x98: {  	_ =	strace s5  }
0x99: {  	_ =	strace $0x8FFFFFFF  }
0x9a: {  	s20 =	sld [smem:$0x3FDB];
	_ =	sdelay $0x1  }
0x9b: {  	s6 =	simm.s32 $_scs_section_size  }
0x9c: {  	s7 =	simm.s32 $_size__tile_overlayer_lowered;
	s8 =	simm.s32 $_tile_overlayer_lowered  }
0x9d: {  	s23 =	simm.s32 $0x1BFF;
	s22 =	sshll.u32 s8, $0x1;
	s5 =	sadd.s32 s6, s20  }
0x9e: {  	s9 =	simm.s32 $0x0;
	s21 =	sshll.u32 s7, $0x1;
	s7 =	sadd.s32 s22, s5  }
0x9f: {  	[timem:s9], [sflag:s23] =	dma.local [hbm:s7], s21  }
0xa0: {  	_ =	swait.ge [sflag:s23], s21  }
0xa1: {  	s6 =	ssub.s32 $0x0, s21;
	[sflag:s23] =	ssyncset.done $0x0  }
0xa2: {  	[sflag:s23] =	ssyncadd.s32 s6;
	_ =	sdelay $0x1  }
0xa3: {  	s24 =	simm.s32 $0x1B8B  }
0xa4: {  	_ =	swait.ge [sflag:s24], $0x1  }
0xa5: {  	[sflag:s24] =	ssyncset.done $0x0  }
0xa6: {  	s25 =	simm.s32 $0x1B8E;
	[sflag:s24] =	ssyncadd.s32 $0xFFFFFFFF  }
0xa7: {  	s26 =	simm.s32 $execute0_lowered;
	[smem:$0x3FD2] =	sst s25  }
0xa8: {  	s6 =	sshll.u32 s26, $0x1;
	_ =	strace $0x80000046;
	[dreg:$0x1] =	wrdreg $0xFFFFFFFF  }
0xa9: {  	s28 =	simm.s32 $_size_execute0_lowered;
	s5 =	sadd.s32 s5, s6;
	[dreg:$0x0] =	wrdreg $0x0  }
0xaa: {  	s6 =	sshll.u32 s28, $0x1;
	[dreg:$0x2] =	wrdreg s5  }
0xab: {  	[dreg:$0x3] =	wrdreg s6  }
0xac: {  	[dreg:$0x4] =	wrdreg $0xC0  }
0xad: {  	_ =	task [dreg:s9], $0x5FFFF  }
0xae: {  	[dreg:$0x1] =	wrdreg $0xFFFFFFFF  }
0xaf: {  	[dreg:$0x0] =	wrdreg $0x60  }
0xb0: {  	[dreg:$0x2] =	wrdreg s2  }
0xb1: {  	[dreg:$0x3] =	wrdreg s19  }
0xb2: {  	[dreg:$0x4] =	wrdreg s4  }
0xb3: {  	[dreg:$0x5] =	wrdreg $0x9  }
0xb4: {  	_ =	task.clear_ibuf [dreg:s9], $0x6FFFF;
	_ =	strace $0x90000046  }
0xb5: {  	s29 =	simm.s32 $0x9;
	_ =	strace $0x80000048  }
0xb6: {  	_ =	swait.ge [sflag:s29], $0x1  }
0xb7: {  	[sflag:s29] =	ssyncadd.s32 $0xFFFFFFFF  }
0xb8: {  	_ =	strace $0x90000048  }
0xb9: {  	_ =	sfence  }
0xba: {  	s30 =	sld [smem:$0x0];
	_ =	sdelay $0x2  }
0xbb: {  	s31 =	sshll.u32 s1, $0xD;
	s1 =	sshrl.u32 s1, $0x2  }
0xbc: {  	s3 =	sand.u32 $0x4000, s31;
	s1 =	sadd.s32 s1, s30  }
0xbd: {  	s0 =	sor.u32 s3, s0;
	s1 =	sshll.u32 s1, $0x11  }
0xbe: {  	s0 =	sor.u32 s1, s0  }
0xbf: {  	s0 =	sadd.s32 $0x8F2B, s0  }
0xc0: {  	[sflag:s0] =	ssyncadd.remote.s32 $0x1  }
0xc1: {  	_ =	sfence.sel $0xFFFF  }
0xc2: {  	[dreg:$0x0] =	wrdreg $0xFFFFFFFF;
	(pc) =	sbr.abs _section_cstart, $3  }
0xc3: {  	[dreg:$0x1] =	wrdreg $0xFFFFFFFF  }
0xc4: {  	_ =	task.clear_ibuf [dreg:s9], $0x2FFFF;
	_ =	strace $0x9FFFFFFF  }
0xc5: {  	(tm) =	ssettm $0x7FFFFFFF  }
tec
execute0_lowered:
.L_overlay_start_1:
0x0: {  	(tag) =	ssettag $0x1  }
0x1: {  	s0 =	rddreg [dreg:$0x0]  }
0x2: {  	s2 =	rddreg [dreg:$0x1]  }
0x3: {  	s1 =	rddreg [dreg:$0x2];
	s3 =	srdreg.scid  }
0x4: {  	s10 =	stileid.u32;
	s13 =	simm.s32 $0xB;
	s14 =	simm.s32 $0x80  }
0x5: {  	s15 =	simm.s32 $0x1C00;
	s16 =	simm.s32 $0x5C00;
	s17 =	simm.s32 $0x100  }
0x6: {  	s18 =	simm.s32 $0x9C00;
	s19 =	simm.s32 $0x1;
	s20 =	simm.s32 $0xDC00  }
0x7: {  	s21 =	simm.s32 $0x2;
	s22 =	simm.s32 $0x11C00;
	s23 =	simm.s32 $0x3  }
0x8: {  	s28 =	simm.s32 $0x7;
	s29 =	simm.s32 $0x8;
	s30 =	simm.s32 $0x9  }
0x9: {  	s31 =	simm.s32 $0xA;
	s8 =	sand.u32 $0x1, s3;
	s3 =	simm.s32 $0x0  }
0xa: {  	s4 =	sshll.u32 s10, $0x8;
	s10 =	sshll.u32 s10, $0xC;
	s5 =	sshll.u32 s8, $0x7  }
0xb: {  	[smem:$0x7FF] =	sst s3;
	s6 =	ssub.s32 $0x2, s8;
	s26 =	sshll.u32 s8, $0xB  }
0xc: {  	s4 =	sor.u32 s5, s4;
	_ =	strace $0x80000047;
	s24 =	sshrl.u32 s6, $0x1  }
.Ltmp0:
0xd: {  	s7 =	sshll.u32 s4, $0x4;
	s9 =	ssub.s32 s6, s24;
	(pc) =	sbr.rel .LBB2_1-.Ltmp0, $4  }
0xe: {  	s4 =	sadd.s32 s0, s4;
	s24 =	simm.s32 $0x4;
	s0 =	simm.s32 $0x0  }
0xf: {  	s25 =	sadd.s32 s1, s7;
	s5 =	sadd.s32 $0x6000, s4;
	s7 =	smax.u32 s9, $0x1  }
0x10: {  	s1 =	sadd.s32 s10, s1;
	s6 =	sadd.s32 $0x310000, s25;
	s8 =	sadd.s32 $0x300000, s25  }
0x11: {  	s1 =	sadd.s32 s26, s1;
	s25 =	simm.s32 $0x5;
	s26 =	simm.s32 $0x6  }
.LBB2_4:
0x12: {  	_ =	swait.ge [sflag:s24], $0x4000  }
0x13: {  	[sflag:s24] =	ssyncset.done $0x0  }
0x14: {  	[sflag:s24] =	ssyncadd.s32 $0xFFFFC000  }
0x15: {  	[hbm4b:s8+s3] =	stream.linear.scatter [tilespmem:s20], [sflag:$0x9], $0x4000, $0x38;
	[tilespmem:$0x15C00] =	vst v63  }
0x16: {  	_ =	swait.ge [sflag:s25], $0x4000  }
0x17: {  	[sflag:s25] =	ssyncset.done $0x0  }
0x18: {  	[sflag:s25] =	ssyncadd.s32 $0xFFFFC000  }
0x19: {  	[hbm4b:s6+s3] =	stream.linear.scatter [tilespmem:s22], [sflag:$0xA], $0x4000, $0x38;
	[tilespmem:$0x15C00] =	vst v63  }
0x1a: {  	_ =	swait.ge [sflag:s26], $0x4000  }
0x1b: {  	[sflag:s26] =	ssyncset.done $0x0  }
0x1c: {  	[sflag:s26] =	ssyncadd.s32 $0xFFFFC000  }
0x1d: {  	_ =	swait.ge [sflag:s28], $0x4000  }
0x1e: {  	[sflag:s28] =	ssyncset.done $0x0  }
0x1f: {  	[sflag:s28] =	ssyncadd.s32 $0xFFFFC000  }
0x20: {  	_ =	swait.ge [sflag:s29], $0x4000  }
0x21: {  	[sflag:s29] =	ssyncset.done $0x0  }
0x22: {  	s0 =	sadd.s32 $0x1, s0;
	[sflag:s29] =	ssyncadd.s32 $0xFFFFC000  }
0x23: {  	p0 =	sne.s32 s0, s7;
	_ =	swait.ge [sflag:s30], $0x4000  }
.Ltmp1:
0x24: {  	[sflag:s30] =	ssyncset.done $0x0;
	(pc) =	sbr.rel @!p0 .LBB2_5-.Ltmp1, $4  }
0x25: {  	[sflag:s30] =	ssyncadd.s32 $0xFFFFC000  }
0x26: {  	_ =	swait.ge [sflag:s31], $0x4000  }
0x27: {  	[sflag:s31] =	ssyncset.done $0x0  }
0x28: {  	[sflag:s31] =	ssyncadd.s32 $0xFFFFC000  }
.LBB2_1:
0x29: {  	s9 =	simm.s32 $0x400;
	s10 =	simm.s32 $0x8000  }
0x2a: {  	[tilespmem:s3], [sflag:$0xB] =	stream.strided.gather [hbm4b:s4+s9], $0x1800, s10, s9, $0x38;
	[tilespmem:$0x15C00] =	vst v63  }
0x2b: {  	s12 =	simm.s32 $0x1800  }
0x2c: {  	[tilespmem:s12], [sflag:$0xB] =	stream.linear.gather [hbm4b:s5+s3], $0x100, $0x38;
	[tilespmem:$0x15C00] =	vst v63  }
0x2d: {  	_ =	swait.ge [sflag:s13], $0x1900  }
0x2e: {  	[sflag:s13] =	ssyncset.done $0x0  }
0x2f: {  	[sflag:s13] =	ssyncadd.s32 $0xFFFFE700  }
0x30: {  	[tilespmem:s15], [sflag:$0x1] =	stream.indirect.gather [hbm4b:s2+s14], $0x80, s3, s14, $0xb8;
	[tilespmem:$0x15C00] =	vst v63  }
0x31: {  	_ = 	snop  }
0x32: {  	[tilespmem:s16], [sflag:$0x2] =	stream.indirect.gather [hbm4b:s2+s14], $0x80, s14, s14, $0xb8;
	[tilespmem:$0x15C00] =	vst v63  }
0x33: {  	s9 =	smov.u32 s1;
	s10 =	simm.s32 $0x0  }
0x34: {  	[tilespmem:s18], [sflag:$0x3] =	stream.indirect.gather [hbm4b:s2+s14], $0x80, s17, s14, $0xb8;
	[tilespmem:$0x15C00] =	vst v63  }
.LBB2_2:
0x35: {  	_ =	swait.ge [sflag:s19], $0x4000  }
0x36: {  	p0 =	seq.s32 s10, $0x0;
	[sflag:s19] =	ssyncset.done $0x0  }
0x37: {  	s12 =	simm.s32 @!p0 $0x9;
	[sflag:s19] =	ssyncadd.s32 $0xFFFFC000  }
0x38: {  	[hbm4b:s9+s3] =	stream.linear.scatter [tilespmem:s15], [sflag:$0x6], $0x4000, $0x38;
	[tilespmem:$0x15C00] =	vst v63  }
0x39: {  	_ =	swait.ge @!p0 [sflag:s12], $0x4000  }
0x3a: {  	s11 =	sshra.s32 s10, $0x2;
	[sflag:s12] =	ssyncset.done @!p0 $0x0  }
0x3b: {  	[sflag:s12] =	ssyncadd.s32 @!p0 $0xFFFFC000;
	s12 =	sadd.s32 $0x180, s11  }
0x3c: {  	[tilespmem:s20], [sflag:$0x4] =	stream.indirect.gather [hbm4b:s2+s14], $0x80, s12, s14, $0xb8;
	[tilespmem:$0x15C00] =	vst v63  }
0x3d: {  	_ =	swait.ge [sflag:s21], $0x4000  }
0x3e: {  	[sflag:s21] =	ssyncset.done $0x0  }
0x3f: {  	s12 =	sadd.s32 $0x10000, s9;
	[sflag:s21] =	ssyncadd.s32 $0xFFFFC000  }
0x40: {  	[hbm4b:s12+s3] =	stream.linear.scatter [tilespmem:s16], [sflag:$0x7], $0x4000, $0x38;
	[tilespmem:$0x15C00] =	vst v63  }
0x41: {  	s12 =	simm.s32 @!p0 $0xA  }
0x42: {  	_ =	swait.ge @!p0 [sflag:s12], $0x4000  }
0x43: {  	[sflag:s12] =	ssyncset.done @!p0 $0x0  }
0x44: {  	[sflag:s12] =	ssyncadd.s32 @!p0 $0xFFFFC000;
	s12 =	sadd.s32 $0x200, s11;
	p0 =	seq.s32 s10, $0x5A00  }
0x45: {  	[tilespmem:s22], [sflag:$0x5] =	stream.indirect.gather [hbm4b:s2+s14], $0x80, s12, s14, $0xb8;
	[tilespmem:$0x15C00] =	vst v63  }
.Ltmp2:
0x46: {  	_ = 	snop;
	(pc) =	sbr.rel @p0 .LBB2_4-.Ltmp2, $4  }
0x47: {  	_ =	swait.ge [sflag:s23], $0x4000  }
0x48: {  	[sflag:s23] =	ssyncset.done $0x0  }
0x49: {  	s12 =	sadd.s32 $0x20000, s9;
	[sflag:s23] =	ssyncadd.s32 $0xFFFFC000  }
0x4a: {  	[hbm4b:s12+s3] =	stream.linear.scatter [tilespmem:s18], [sflag:$0x8], $0x4000, $0x38;
	[tilespmem:$0x15C00] =	vst v63  }
0x4b: {  	_ =	swait.ge [sflag:s26], $0x4000  }
0x4c: {  	[sflag:s26] =	ssyncset.done $0x0  }
0x4d: {  	s12 =	sadd.s32 $0x280, s11;
	[sflag:s26] =	ssyncadd.s32 $0xFFFFC000  }
0x4e: {  	[tilespmem:s15], [sflag:$0x1] =	stream.indirect.gather [hbm4b:s2+s14], $0x80, s12, s14, $0xb8;
	[tilespmem:$0x15C00] =	vst v63  }
0x4f: {  	_ =	swait.ge [sflag:s24], $0x4000  }
0x50: {  	[sflag:s24] =	ssyncset.done $0x0  }
0x51: {  	s12 =	sadd.s32 $0x30000, s9;
	[sflag:s24] =	ssyncadd.s32 $0xFFFFC000  }
0x52: {  	[hbm4b:s12+s3] =	stream.linear.scatter [tilespmem:s20], [sflag:$0x9], $0x4000, $0x38;
	[tilespmem:$0x15C00] =	vst v63  }
0x53: {  	_ =	swait.ge [sflag:s28], $0x4000  }
0x54: {  	[sflag:s28] =	ssyncset.done $0x0  }
0x55: {  	s12 =	sadd.s32 $0x300, s11;
	[sflag:s28] =	ssyncadd.s32 $0xFFFFC000  }
0x56: {  	[tilespmem:s16], [sflag:$0x2] =	stream.indirect.gather [hbm4b:s2+s14], $0x80, s12, s14, $0xb8;
	[tilespmem:$0x15C00] =	vst v63  }
0x57: {  	_ =	swait.ge [sflag:s25], $0x4000  }
0x58: {  	[sflag:s25] =	ssyncset.done $0x0  }
0x59: {  	s12 =	sadd.s32 $0x40000, s9;
	[sflag:s25] =	ssyncadd.s32 $0xFFFFC000  }
0x5a: {  	[hbm4b:s12+s3] =	stream.linear.scatter [tilespmem:s22], [sflag:$0xA], $0x4000, $0x38;
	[tilespmem:$0x15C00] =	vst v63  }
.Ltmp3:
0x5b: {  	_ = 	snop;
	(pc) =	sbr.rel .LBB2_2-.Ltmp3, $4  }
0x5c: {  	_ =	swait.ge [sflag:s29], $0x4000  }
0x5d: {  	s10 =	sadd.s32 $0xA00, s10;
	[sflag:s29] =	ssyncset.done $0x0  }
0x5e: {  	s9 =	sadd.s32 $0x50000, s9;
	s12 =	sadd.s32 $0x380, s11;
	[sflag:s29] =	ssyncadd.s32 $0xFFFFC000  }
0x5f: {  	[tilespmem:s18], [sflag:$0x3] =	stream.indirect.gather [hbm4b:s2+s14], $0x80, s12, s14, $0xb8;
	[tilespmem:$0x15C00] =	vst v63  }
.LBB2_5:
0x60: {  	_ =	sfence.sel $0x180000  }
0x61: {  	[bflag:$0x0] =	sbarrier.arrive $0xFFFF  }
0x62: {  	_ =	strace $0x90000047  }
0x63: {  	s0 =	stileid.u32;
	[bflag:$0x2] =	sbarrier.arrive $0xFFFF  }
0x64: {  	p0 =	sne.s32 s0, $0x0;
	s0 =	rddreg [dreg:$0x3]  }
0x65: {  	s0 =	sadd.s32 @!p0 $0x100000, s0  }
0x66: {  	[sflag:s0] =	ssyncadd.tile.s32 @!p0 $0x1;
	_ =	shalt  }
.Lfunc_end2:
_tile_overlayer_lowered:
.L_overlay_start_2:
0x67: {  	(tag) =	ssettag $0x2  }
0x68: {  	s0 =	rddreg [dreg:$0x0];
	s2 =	stileid.u32  }
0x69: {  	s1 =	rddreg [dreg:$0x1];
	p0 =	sne.s32 s2, $0x0  }
0x6a: {  	s3 =	rddreg [dreg:$0x2];
	[bflag:$0x3] =	sbarrier.arrive $0xFFFF;
	s2 =	simm.s32 @!p0 $0x1C0B  }
0x6b: {  	[timem:s3], [sflag:s2] =	dma.local @!p0 [hbm:s0], s1  }
0x6c: {  	s0 =	simm.s32 @!p0 $0xB  }
0x6d: {  	_ =	swait.ge @!p0 [sflag:s0], s1  }
0x6e: {  	s1 =	ssub.s32 @!p0 $0x0, s1;
	[sflag:s0] =	ssyncset.done @!p0 $0x0  }
0x6f: {  	[sflag:s0] =	ssyncadd.s32 @!p0 s1  }
0x70: {  	[bflag:$0x3] =	sbarrier.arrive $0xFFFF  }
0x71: {  	_ =	shalt  }

</sc_bundles>
